<compile_context>
chip_gen: v7x
topology: tpu7x:2x2x1
jax: 0.10.2.dev20260603
libtpu: 0.0.44.dev20260713+nightly
codegen_flags: <defaults>
</compile_context>

<pallas_src>
import functools

import jax
import jax.numpy as jnp
from jax import lax
from jax.experimental import pallas as pl
from jax.experimental.pallas import tpu as pltpu
from jax.experimental.pallas import tpu_sc as plsc



def _make_sc_gather(R, N):
    info = plsc.get_sparse_core_info()
    NC, NS = info.num_cores, info.num_subcores
    NW = NC * NS
    K = 4
    C = K * 128
    b_per_w = N // NW
    assert N % (NW * C) == 0, (N, NW, C)
    steps = b_per_w // C
    mesh = plsc.VectorSubcoreMesh(core_axis_name="c", subcore_axis_name="s")

    @functools.partial(
        pl.kernel,
        mesh=mesh,
        out_type=jax.ShapeDtypeStruct((N, 128), jnp.float32),
        scratch_types=[
            pltpu.VMEM((K, 128), jnp.int32),
            pltpu.VMEM((C, 128), jnp.float32),
            pltpu.SemaphoreType.DMA,
        ],
        compiler_params=pltpu.CompilerParams(use_tc_tiling_on_sc=False),
    )
    def gather_kernel(table_hbm, idx_hbm, out_hbm, idx_v, rows_v, sem):
        wid = lax.axis_index("s") * NC + lax.axis_index("c")
        idx_row0 = wid * (b_per_w // 128)

        def step(i, carry):
            r0 = idx_row0 + i * K
            pltpu.sync_copy(idx_hbm.at[pl.ds(r0, K)], idx_v)
            copies = [
                pltpu.async_copy(
                    table_hbm.at[idx_v.at[j]],
                    rows_v.at[pl.ds(j * 128, 128)],
                    sem,
                )
                for j in range(K)
            ]
            for c in copies:
                c.wait()
            pltpu.sync_copy(rows_v, out_hbm.at[pl.ds(r0 * 128, C)])
            return carry

        lax.fori_loop(0, steps, step, 0)

    return gather_kernel



def _make_repack(V, DL):
    BV = 20000
    assert V % BV == 0 and BV % 32 == 0

    Q = BV // 4

    def body(in_ref, out_ref):
        x = in_ref[...]
        out_ref[...] = jnp.concatenate(
            [x[k * Q:(k + 1) * Q, :] for k in range(4)], axis=1)

    return pl.pallas_call(
        body,
        grid=(V // BV,),
        in_specs=[pl.BlockSpec((BV, DL), lambda i: (i, 0))],
        out_specs=pl.BlockSpec((BV // 4, 4 * DL), lambda i: (i, 0)),
        out_shape=jax.ShapeDtypeStruct((V // 4, 4 * DL), jnp.float32),
    )



def _make_tc_fused(B, T, F, NT, DE, DL, H, BLK):
    nb = B // BLK
    assert B % BLK == 0
    ND = 8

    def body(dn_ref, cat_ref, loc_ref, ed_ref, et_ref, w_ref, wr_ref, b_ref,
             out_ref):
        dn = jnp.squeeze(dn_ref[...], axis=0)
        cat = jnp.squeeze(cat_ref[...], axis=0)
        P = loc_ref[...]
        W = w_ref[...]
        d = cat[0:1, :]
        t = cat[1:2, :]
        kb = lax.div(lax.rem(cat[2:3, :], 20000), 5000)
        oh_d = (lax.broadcasted_iota(jnp.int32, (ND, BLK), 0) == d).astype(
            jnp.float32)
        oh_t = (lax.broadcasted_iota(jnp.int32, (NT, BLK), 0) == t).astype(
            jnp.float32)
        oh_4 = (lax.broadcasted_iota(jnp.int32, (4, BLK), 0) == kb).astype(
            jnp.float32)
        m4 = (lax.broadcasted_iota(jnp.int32, (4, 4 * DL), 0) ==
              lax.broadcasted_iota(jnp.int32, (4, 4 * DL), 1) // DL).astype(
            jnp.float32)
        cdims = (((0,), (0,)), ((), ()))
        mask = lax.dot_general(oh_4, m4, cdims,
                               preferred_element_type=jnp.float32)
        pd = jnp.dot(ed_ref[...], W[F:F + DE, :],
                     preferred_element_type=jnp.float32)
        pt = jnp.dot(et_ref[...], W[F + DE:F + 2 * DE, :],
                     preferred_element_type=jnp.float32)
        acc = lax.dot_general(dn, W[0:F, :], cdims,
                              preferred_element_type=jnp.float32)
        acc = acc + lax.dot_general(oh_d, pd, cdims,
                                    preferred_element_type=jnp.float32)
        acc = acc + lax.dot_general(oh_t, pt, cdims,
                                    preferred_element_type=jnp.float32)
        acc = acc + jnp.dot(P * mask, wr_ref[...],
                            preferred_element_type=jnp.float32)
        acc = acc + b_ref[...]
        out_ref[...] = jnp.maximum(acc, 0.0)[None]

    return pl.pallas_call(
        body,
        grid=(T, nb),
        in_specs=[
            pl.BlockSpec((1, F, BLK), lambda i, j: (i, 0, j)),
            pl.BlockSpec((1, 3, BLK), lambda i, j: (i, 0, j)),
            pl.BlockSpec((BLK, 128), lambda i, j, _nb=nb: (i * _nb + j, 0)),
            pl.BlockSpec((ND, DE), lambda i, j: (0, 0)),
            pl.BlockSpec((NT, DE), lambda i, j: (0, 0)),
            pl.BlockSpec((F + 2 * DE + DL, H), lambda i, j: (0, 0)),
            pl.BlockSpec((4 * DL, H), lambda i, j: (0, 0)),
            pl.BlockSpec((1, H), lambda i, j: (0, 0)),
        ],
        out_specs=pl.BlockSpec((1, BLK, H), lambda i, j: (i, j, 0)),
        out_shape=jax.ShapeDtypeStruct((T, B, H), jnp.float32),
    )



def kernel(data_num, data_cat, emb_day, emb_time, emb_loc, W_in, b_in):
    B, T, F = data_num.shape
    N = B * T
    V, DL = emb_loc.shape
    NT, DE = emb_time.shape
    H = W_in.shape[1]

    dnT = jnp.transpose(data_num, (1, 2, 0))
    catT = jnp.transpose(data_cat, (1, 2, 0))
    loc_idx = catT[:, 2, :]
    idx4 = ((loc_idx // 20000) * 5000 + loc_idx % 5000).reshape(N // 128, 128)

    table4 = _make_repack(V, DL)(emb_loc)
    loc4 = _make_sc_gather(V // 4, N)(table4, idx4)

    ND = 8
    ed = jnp.zeros((ND, DE), emb_day.dtype).at[:emb_day.shape[0]].set(emb_day)

    W_rep = jnp.tile(W_in[F + 2 * DE:, :], (4, 1))
    out3 = _make_tc_fused(B, T, F, NT, DE, DL, H, BLK=4096)(
        dnT, catT, loc4, ed, emb_time, W_in, W_rep, b_in.reshape(1, H))
    return jnp.transpose(out3, (1, 0, 2))

# --- scband reference (transcript-rebuilt; emitter-appended) ---
"""Pipeline reference for scband-model-base-89936615178993 (READ-ONLY COPY).

The authoritative reference and input builder live on the scoring server;
editing this copy changes nothing except your own understanding.
"""

import jax, jax.numpy as jnp
import numpy as np

NUM_DAY = 7
NUM_TIME = 48
NUM_LOC = 1000000
D_DAY = 8
D_TIME = 8
D_LOC = 32
F_NUM = 16
INPUT_SIZE = F_NUM + D_DAY + D_TIME + D_LOC  # 64
HIDDEN = 128
B = 16384
T = 20


def setup_inputs(seed: int = 0) -> dict:
    key = jax.random.key(seed)
    ks = jax.random.split(key, 9)
    data_num = jax.random.normal(ks[0], (B, T, F_NUM), dtype=jnp.float32)
    day = jax.random.randint(ks[1], (B, T, 1), 0, NUM_DAY)
    time = jax.random.randint(ks[2], (B, T, 1), 0, NUM_TIME)
    loc = jax.random.randint(ks[3], (B, T, 1), 0, NUM_LOC)
    data_cat = jnp.concatenate([day, time, loc], axis=-1).astype(jnp.int32)
    # Learned parameters (nn.Embedding default init ~ N(0,1); linear ~ small)
    emb_day = jax.random.normal(ks[4], (NUM_DAY, D_DAY), dtype=jnp.float32)
    emb_time = jax.random.normal(ks[5], (NUM_TIME, D_TIME), dtype=jnp.float32)
    emb_loc = jax.random.normal(ks[6], (NUM_LOC, D_LOC), dtype=jnp.float32)
    W_in = jax.random.normal(ks[7], (INPUT_SIZE, HIDDEN), dtype=jnp.float32) * (1.0 / np.sqrt(INPUT_SIZE))
    b_in = jax.random.normal(ks[8], (HIDDEN,), dtype=jnp.float32) * 0.01
    return {
        "data_num": data_num,
        "data_cat": data_cat,
        "emb_day": emb_day,
        "emb_time": emb_time,
        "emb_loc": emb_loc,
        "W_in": W_in,
        "b_in": b_in,
    }


def reference(data_num, data_cat, emb_day, emb_time, emb_loc, W_in, b_in):
    # dropout p=0.0 -> identity
    e0 = jnp.take(emb_day, data_cat[:, :, 0], axis=0)
    e1 = jnp.take(emb_time, data_cat[:, :, 1], axis=0)
    e2 = jnp.take(emb_loc, data_cat[:, :, 2], axis=0)
    data = jnp.concatenate([data_num, e0, e1, e2], axis=-1)
    out = jnp.dot(data, W_in) + b_in
    return jax.nn.relu(out)

if __name__ == "__main__":
    import jax
    _d = setup_inputs()
    print(jax.jit(kernel)(*tuple(_d.values())))

</pallas_src>

<mosaic_0001>
#map = affine_map<(d0, d1) -> (0, 0)>
module attributes {stable_mosaic.version = 14 : i64} {
  func.func @gather_kernel(%arg0: i32, %arg1: i32, %arg2: memref<250000x128xf32, #tpu.memory_space<hbm>>, %arg3: memref<2560x128xi32, #tpu.memory_space<hbm>>, %arg4: memref<327680x128xf32, #tpu.memory_space<hbm>>, %arg5: memref<4x128xi32, #tpu.memory_space<vmem>>, %arg6: memref<512x128xf32, #tpu.memory_space<vmem>>, %arg7: memref<!tpu.dma_semaphore, #tpu.memory_space<semaphore_mem>>) attributes {dimension_semantics = [#tpu.dimension_semantics<core_parallel>, #tpu.dimension_semantics<subcore_parallel>], iteration_bounds = array<i64: 2, 16>, scalar_prefetch = 0 : i64, scratch_operands = 3 : i64, tpu.core_type = #tpu.core_type<sc_vector_subcore>, window_params = [{transform_indices = #map}, {transform_indices = #map}, {transform_indices = #map}]} {
    %mul3A = arith.constant 2 : i32
    %mul3A_0 = arith.muli %arg1, %mul3A : i32
    %add3A = arith.addi %mul3A_0, %arg0 : i32
    %mul3A_1 = arith.constant 80 : i32
    %mul3A_2 = arith.muli %add3A, %mul3A_1 : i32
    %scan3A = arith.constant 0 : i32
    %scan3A_3 = arith.constant 0 : i32
    %scan3A_4 = arith.constant 20 : i32
    %scan3A_5 = arith.addi %scan3A_3, %scan3A_4 : i32
    %scan3A_6 = arith.constant 1 : i32
    scf.for %scan3A_8 = %scan3A_3 to %scan3A_5 step %scan3A_6  : i32 {
      %mul3A_9 = arith.constant 4 : i32
      %mul3A_10 = arith.muli %scan3A_8, %mul3A_9 : i32
      %add3A_11 = arith.addi %mul3A_2, %mul3A_10 : i32
      "tpu.region"() ({
        %run_scoped3A = tpu.sem_alloc : memref<!tpu.dma_semaphore, #tpu.memory_space<semaphore_mem>>
        %dma_start3A_92 = arith.constant 0 : i32
        %dma_start3A_93 = tpu.memref_slice %arg3[%add3A_11, %dma_start3A_92] : memref<2560x128xi32, #tpu.memory_space<hbm>> -> memref<4x128xi32, #tpu.memory_space<hbm>>
        %dma_start3A_94 = arith.constant 0 : i32
        %dma_start3A_95 = tpu.memref_slice %arg3[%add3A_11, %dma_start3A_94] : memref<2560x128xi32, #tpu.memory_space<hbm>> -> memref<4x128xi32, #tpu.memory_space<hbm>>
        tpu.enqueue_dma source(%dma_start3A_95 : memref<4x128xi32, #tpu.memory_space<hbm>>) target(%arg5 : memref<4x128xi32, #tpu.memory_space<vmem>>) target_semaphore(%run_scoped3A : memref<!tpu.dma_semaphore, #tpu.memory_space<semaphore_mem>>)
        %dma_wait3A_96 = arith.constant 0 : i32
        %dma_wait3A_97 = tpu.memref_slice %arg3[%add3A_11, %dma_wait3A_96] : memref<2560x128xi32, #tpu.memory_space<hbm>> -> memref<4x128xi32, #tpu.memory_space<hbm>>
        %dma_wait3A_98 = arith.constant 0 : i32
        %dma_wait3A_99 = tpu.memref_slice %arg3[%add3A_11, %dma_wait3A_98] : memref<2560x128xi32, #tpu.memory_space<hbm>> -> memref<4x128xi32, #tpu.memory_space<hbm>>
        tpu.wait_dma2 semaphore(%run_scoped3A : memref<!tpu.dma_semaphore, #tpu.memory_space<semaphore_mem>>) src(%dma_wait3A_99 : memref<4x128xi32, #tpu.memory_space<hbm>>) dst(%arg5 : memref<4x128xi32, #tpu.memory_space<vmem>>)
        tpu.yield
      }) : () -> ()
      %dma_start3A = arith.constant 0 : i32
      %dma_start3A_12 = arith.constant 0 : i32
      %dma_start3A_13 = arith.constant 0 : i32
      %dma_start3A_14 = tpu.memref_slice %arg6[%dma_start3A_12, %dma_start3A_13] : memref<512x128xf32, #tpu.memory_space<vmem>> -> memref<128x128xf32, #tpu.memory_space<vmem>>
      %dma_start3A_15 = arith.constant 0 : i32
      %dma_start3A_16 = tpu.memref_slice %arg5[%dma_start3A, %dma_start3A_15] : memref<4x128xi32, #tpu.memory_space<vmem>> -> memref<1x128xi32, #tpu.memory_space<vmem>>
      %dma_start3A_17 = tpu.memref_squeeze %dma_start3A_16 : memref<1x128xi32, #tpu.memory_space<vmem>> -> memref<128xi32, #tpu.memory_space<vmem>>
      %dma_start3A_18 = arith.constant 0 : i32
      %dma_start3A_19 = arith.constant 0 : i32
      %dma_start3A_20 = tpu.memref_slice %arg2[%dma_start3A_18, %dma_start3A_19] : memref<250000x128xf32, #tpu.memory_space<hbm>> -> memref<250000x128xf32, #tpu.memory_space<hbm>>
      tpu.enqueue_indirect_dma source(%dma_start3A_20 : memref<250000x128xf32, #tpu.memory_space<hbm>>) target(%dma_start3A_14 : memref<128x128xf32, #tpu.memory_space<vmem>>) offsets(%dma_start3A_17 : memref<128xi32, #tpu.memory_space<vmem>>) semaphore(%arg7 : memref<!tpu.dma_semaphore, #tpu.memory_space<semaphore_mem>>)
      %dma_start3A_21 = arith.constant 1 : i32
      %dma_start3A_22 = arith.constant 128 : i32
      %dma_start3A_23 = arith.constant 0 : i32
      %dma_start3A_24 = tpu.memref_slice %arg6[%dma_start3A_22, %dma_start3A_23] : memref<512x128xf32, #tpu.memory_space<vmem>> -> memref<128x128xf32, #tpu.memory_space<vmem>>
      %dma_start3A_25 = arith.constant 0 : i32
      %dma_start3A_26 = tpu.memref_slice %arg5[%dma_start3A_21, %dma_start3A_25] : memref<4x128xi32, #tpu.memory_space<vmem>> -> memref<1x128xi32, #tpu.memory_space<vmem>>
      %dma_start3A_27 = tpu.memref_squeeze %dma_start3A_26 : memref<1x128xi32, #tpu.memory_space<vmem>> -> memref<128xi32, #tpu.memory_space<vmem>>
      %dma_start3A_28 = arith.constant 0 : i32
      %dma_start3A_29 = arith.constant 0 : i32
      %dma_start3A_30 = tpu.memref_slice %arg2[%dma_start3A_28, %dma_start3A_29] : memref<250000x128xf32, #tpu.memory_space<hbm>> -> memref<250000x128xf32, #tpu.memory_space<hbm>>
      tpu.enqueue_indirect_dma source(%dma_start3A_30 : memref<250000x128xf32, #tpu.memory_space<hbm>>) target(%dma_start3A_24 : memref<128x128xf32, #tpu.memory_space<vmem>>) offsets(%dma_start3A_27 : memref<128xi32, #tpu.memory_space<vmem>>) semaphore(%arg7 : memref<!tpu.dma_semaphore, #tpu.memory_space<semaphore_mem>>)
      %dma_start3A_31 = arith.constant 2 : i32
      %dma_start3A_32 = arith.constant 256 : i32
      %dma_start3A_33 = arith.constant 0 : i32
      %dma_start3A_34 = tpu.memref_slice %arg6[%dma_start3A_32, %dma_start3A_33] : memref<512x128xf32, #tpu.memory_space<vmem>> -> memref<128x128xf32, #tpu.memory_space<vmem>>
      %dma_start3A_35 = arith.constant 0 : i32
      %dma_start3A_36 = tpu.memref_slice %arg5[%dma_start3A_31, %dma_start3A_35] : memref<4x128xi32, #tpu.memory_space<vmem>> -> memref<1x128xi32, #tpu.memory_space<vmem>>
      %dma_start3A_37 = tpu.memref_squeeze %dma_start3A_36 : memref<1x128xi32, #tpu.memory_space<vmem>> -> memref<128xi32, #tpu.memory_space<vmem>>
      %dma_start3A_38 = arith.constant 0 : i32
      %dma_start3A_39 = arith.constant 0 : i32
      %dma_start3A_40 = tpu.memref_slice %arg2[%dma_start3A_38, %dma_start3A_39] : memref<250000x128xf32, #tpu.memory_space<hbm>> -> memref<250000x128xf32, #tpu.memory_space<hbm>>
      tpu.enqueue_indirect_dma source(%dma_start3A_40 : memref<250000x128xf32, #tpu.memory_space<hbm>>) target(%dma_start3A_34 : memref<128x128xf32, #tpu.memory_space<vmem>>) offsets(%dma_start3A_37 : memref<128xi32, #tpu.memory_space<vmem>>) semaphore(%arg7 : memref<!tpu.dma_semaphore, #tpu.memory_space<semaphore_mem>>)
      %dma_start3A_41 = arith.constant 3 : i32
      %dma_start3A_42 = arith.constant 384 : i32
      %dma_start3A_43 = arith.constant 0 : i32
      %dma_start3A_44 = tpu.memref_slice %arg6[%dma_start3A_42, %dma_start3A_43] : memref<512x128xf32, #tpu.memory_space<vmem>> -> memref<128x128xf32, #tpu.memory_space<vmem>>
      %dma_start3A_45 = arith.constant 0 : i32
      %dma_start3A_46 = tpu.memref_slice %arg5[%dma_start3A_41, %dma_start3A_45] : memref<4x128xi32, #tpu.memory_space<vmem>> -> memref<1x128xi32, #tpu.memory_space<vmem>>
      %dma_start3A_47 = tpu.memref_squeeze %dma_start3A_46 : memref<1x128xi32, #tpu.memory_space<vmem>> -> memref<128xi32, #tpu.memory_space<vmem>>
      %dma_start3A_48 = arith.constant 0 : i32
      %dma_start3A_49 = arith.constant 0 : i32
      %dma_start3A_50 = tpu.memref_slice %arg2[%dma_start3A_48, %dma_start3A_49] : memref<250000x128xf32, #tpu.memory_space<hbm>> -> memref<250000x128xf32, #tpu.memory_space<hbm>>
      tpu.enqueue_indirect_dma source(%dma_start3A_50 : memref<250000x128xf32, #tpu.memory_space<hbm>>) target(%dma_start3A_44 : memref<128x128xf32, #tpu.memory_space<vmem>>) offsets(%dma_start3A_47 : memref<128xi32, #tpu.memory_space<vmem>>) semaphore(%arg7 : memref<!tpu.dma_semaphore, #tpu.memory_space<semaphore_mem>>)
      %dma_wait3A = arith.constant 0 : i32
      %dma_wait3A_51 = arith.constant 0 : i32
      %dma_wait3A_52 = arith.constant 0 : i32
      %dma_wait3A_53 = tpu.memref_slice %arg6[%dma_wait3A_51, %dma_wait3A_52] : memref<512x128xf32, #tpu.memory_space<vmem>> -> memref<128x128xf32, #tpu.memory_space<vmem>>
      %dma_wait3A_54 = arith.constant 0 : i32
      %dma_wait3A_55 = tpu.memref_slice %arg5[%dma_wait3A, %dma_wait3A_54] : memref<4x128xi32, #tpu.memory_space<vmem>> -> memref<1x128xi32, #tpu.memory_space<vmem>>
      %dma_wait3A_56 = tpu.memref_squeeze %dma_wait3A_55 : memref<1x128xi32, #tpu.memory_space<vmem>> -> memref<128xi32, #tpu.memory_space<vmem>>
      %dma_wait3A_57 = arith.constant 0 : i32
      %dma_wait3A_58 = arith.constant 0 : i32
      %dma_wait3A_59 = tpu.memref_slice %arg2[%dma_wait3A_57, %dma_wait3A_58] : memref<250000x128xf32, #tpu.memory_space<hbm>> -> memref<250000x128xf32, #tpu.memory_space<hbm>>
      tpu.wait_indirect_dma semaphore(%arg7 : memref<!tpu.dma_semaphore, #tpu.memory_space<semaphore_mem>>) src(%dma_wait3A_59 : memref<250000x128xf32, #tpu.memory_space<hbm>>) dst(%dma_wait3A_53 : memref<128x128xf32, #tpu.memory_space<vmem>>)
      %dma_wait3A_60 = arith.constant 1 : i32
      %dma_wait3A_61 = arith.constant 128 : i32
      %dma_wait3A_62 = arith.constant 0 : i32
      %dma_wait3A_63 = tpu.memref_slice %arg6[%dma_wait3A_61, %dma_wait3A_62] : memref<512x128xf32, #tpu.memory_space<vmem>> -> memref<128x128xf32, #tpu.memory_space<vmem>>
      %dma_wait3A_64 = arith.constant 0 : i32
      %dma_wait3A_65 = tpu.memref_slice %arg5[%dma_wait3A_60, %dma_wait3A_64] : memref<4x128xi32, #tpu.memory_space<vmem>> -> memref<1x128xi32, #tpu.memory_space<vmem>>
      %dma_wait3A_66 = tpu.memref_squeeze %dma_wait3A_65 : memref<1x128xi32, #tpu.memory_space<vmem>> -> memref<128xi32, #tpu.memory_space<vmem>>
      %dma_wait3A_67 = arith.constant 0 : i32
      %dma_wait3A_68 = arith.constant 0 : i32
      %dma_wait3A_69 = tpu.memref_slice %arg2[%dma_wait3A_67, %dma_wait3A_68] : memref<250000x128xf32, #tpu.memory_space<hbm>> -> memref<250000x128xf32, #tpu.memory_space<hbm>>
      tpu.wait_indirect_dma semaphore(%arg7 : memref<!tpu.dma_semaphore, #tpu.memory_space<semaphore_mem>>) src(%dma_wait3A_69 : memref<250000x128xf32, #tpu.memory_space<hbm>>) dst(%dma_wait3A_63 : memref<128x128xf32, #tpu.memory_space<vmem>>)
      %dma_wait3A_70 = arith.constant 2 : i32
      %dma_wait3A_71 = arith.constant 256 : i32
      %dma_wait3A_72 = arith.constant 0 : i32
      %dma_wait3A_73 = tpu.memref_slice %arg6[%dma_wait3A_71, %dma_wait3A_72] : memref<512x128xf32, #tpu.memory_space<vmem>> -> memref<128x128xf32, #tpu.memory_space<vmem>>
      %dma_wait3A_74 = arith.constant 0 : i32
      %dma_wait3A_75 = tpu.memref_slice %arg5[%dma_wait3A_70, %dma_wait3A_74] : memref<4x128xi32, #tpu.memory_space<vmem>> -> memref<1x128xi32, #tpu.memory_space<vmem>>
      %dma_wait3A_76 = tpu.memref_squeeze %dma_wait3A_75 : memref<1x128xi32, #tpu.memory_space<vmem>> -> memref<128xi32, #tpu.memory_space<vmem>>
      %dma_wait3A_77 = arith.constant 0 : i32
      %dma_wait3A_78 = arith.constant 0 : i32
      %dma_wait3A_79 = tpu.memref_slice %arg2[%dma_wait3A_77, %dma_wait3A_78] : memref<250000x128xf32, #tpu.memory_space<hbm>> -> memref<250000x128xf32, #tpu.memory_space<hbm>>
      tpu.wait_indirect_dma semaphore(%arg7 : memref<!tpu.dma_semaphore, #tpu.memory_space<semaphore_mem>>) src(%dma_wait3A_79 : memref<250000x128xf32, #tpu.memory_space<hbm>>) dst(%dma_wait3A_73 : memref<128x128xf32, #tpu.memory_space<vmem>>)
      %dma_wait3A_80 = arith.constant 3 : i32
      %dma_wait3A_81 = arith.constant 384 : i32
      %dma_wait3A_82 = arith.constant 0 : i32
      %dma_wait3A_83 = tpu.memref_slice %arg6[%dma_wait3A_81, %dma_wait3A_82] : memref<512x128xf32, #tpu.memory_space<vmem>> -> memref<128x128xf32, #tpu.memory_space<vmem>>
      %dma_wait3A_84 = arith.constant 0 : i32
      %dma_wait3A_85 = tpu.memref_slice %arg5[%dma_wait3A_80, %dma_wait3A_84] : memref<4x128xi32, #tpu.memory_space<vmem>> -> memref<1x128xi32, #tpu.memory_space<vmem>>
      %dma_wait3A_86 = tpu.memref_squeeze %dma_wait3A_85 : memref<1x128xi32, #tpu.memory_space<vmem>> -> memref<128xi32, #tpu.memory_space<vmem>>
      %dma_wait3A_87 = arith.constant 0 : i32
      %dma_wait3A_88 = arith.constant 0 : i32
      %dma_wait3A_89 = tpu.memref_slice %arg2[%dma_wait3A_87, %dma_wait3A_88] : memref<250000x128xf32, #tpu.memory_space<hbm>> -> memref<250000x128xf32, #tpu.memory_space<hbm>>
      tpu.wait_indirect_dma semaphore(%arg7 : memref<!tpu.dma_semaphore, #tpu.memory_space<semaphore_mem>>) src(%dma_wait3A_89 : memref<250000x128xf32, #tpu.memory_space<hbm>>) dst(%dma_wait3A_83 : memref<128x128xf32, #tpu.memory_space<vmem>>)
      %mul3A_90 = arith.constant 128 : i32
      %mul3A_91 = arith.muli %add3A_11, %mul3A_90 : i32
      "tpu.region"() ({
        %run_scoped3A = tpu.sem_alloc : memref<!tpu.dma_semaphore, #tpu.memory_space<semaphore_mem>>
        %dma_start3A_92 = arith.constant 0 : i32
        %dma_start3A_93 = tpu.memref_slice %arg4[%mul3A_91, %dma_start3A_92] : memref<327680x128xf32, #tpu.memory_space<hbm>> -> memref<512x128xf32, #tpu.memory_space<hbm>>
        %dma_start3A_94 = arith.constant 0 : i32
        %dma_start3A_95 = tpu.memref_slice %arg4[%mul3A_91, %dma_start3A_94] : memref<327680x128xf32, #tpu.memory_space<hbm>> -> memref<512x128xf32, #tpu.memory_space<hbm>>
        tpu.enqueue_dma source(%arg6 : memref<512x128xf32, #tpu.memory_space<vmem>>) target(%dma_start3A_95 : memref<512x128xf32, #tpu.memory_space<hbm>>) target_semaphore(%run_scoped3A : memref<!tpu.dma_semaphore, #tpu.memory_space<semaphore_mem>>)
        %dma_wait3A_96 = arith.constant 0 : i32
        %dma_wait3A_97 = tpu.memref_slice %arg4[%mul3A_91, %dma_wait3A_96] : memref<327680x128xf32, #tpu.memory_space<hbm>> -> memref<512x128xf32, #tpu.memory_space<hbm>>
        %dma_wait3A_98 = arith.constant 0 : i32
        %dma_wait3A_99 = tpu.memref_slice %arg4[%mul3A_91, %dma_wait3A_98] : memref<327680x128xf32, #tpu.memory_space<hbm>> -> memref<512x128xf32, #tpu.memory_space<hbm>>
        tpu.wait_dma2 semaphore(%run_scoped3A : memref<!tpu.dma_semaphore, #tpu.memory_space<semaphore_mem>>) src(%arg6 : memref<512x128xf32, #tpu.memory_space<vmem>>) dst(%dma_wait3A_99 : memref<512x128xf32, #tpu.memory_space<hbm>>)
        tpu.yield
      }) : () -> ()
    }
    %scan3A_7 = arith.constant 20 : i32
    return
  }
}

module attributes {stable_mosaic.version = 14 : i64} {
  func.func @body(%arg0: i32, %arg1: memref<20000x32xf32, #tpu.memory_space<vmem>>, %arg2: memref<5000x128xf32, #tpu.memory_space<vmem>>) attributes {dimension_semantics = [#tpu.dimension_semantics<arbitrary>], iteration_bounds = array<i64: 50>, scalar_prefetch = 0 : i64, scratch_operands = 0 : i64, tpu.core_type = #tpu.core_type<tc>, window_params = [{transform_indices = @transform_0, window_bounds = array<i64: 20000, 32>}, {transform_indices = @transform_1, window_bounds = array<i64: 5000, 128>}]} {
    %get3A = arith.constant 0 : index
    %get3A_0 = arith.constant 0 : index
    %get3A_1 = vector.load %arg1[%get3A, %get3A_0] : memref<20000x32xf32, #tpu.memory_space<vmem>>, vector<20000x32xf32>
    %slice3A = vector.extract_strided_slice %get3A_1 {offsets = [0, 0], sizes = [5000, 32], strides = [1, 1]} : vector<20000x32xf32> to vector<5000x32xf32>
    %slice3A_2 = vector.extract_strided_slice %get3A_1 {offsets = [5000, 0], sizes = [5000, 32], strides = [1, 1]} : vector<20000x32xf32> to vector<5000x32xf32>
    %slice3A_3 = vector.extract_strided_slice %get3A_1 {offsets = [10000, 0], sizes = [5000, 32], strides = [1, 1]} : vector<20000x32xf32> to vector<5000x32xf32>
    %slice3A_4 = vector.extract_strided_slice %get3A_1 {offsets = [15000, 0], sizes = [5000, 32], strides = [1, 1]} : vector<20000x32xf32> to vector<5000x32xf32>
    %concatenate3A = tpu.concatenate %slice3A, %slice3A_2, %slice3A_3, %slice3A_4 in 1 : vector<5000x32xf32>, vector<5000x32xf32>, vector<5000x32xf32>, vector<5000x32xf32> -> vector<5000x128xf32>
    %swap3A = arith.constant 0 : index
    %swap3A_5 = arith.constant 0 : index
    %swap3A_6 = vector.load %arg2[%swap3A, %swap3A_5] : memref<5000x128xf32, #tpu.memory_space<vmem>>, vector<5000x128xf32>
    tpu.vector_store %arg2[%swap3A, %swap3A_5], %concatenate3A {strides = array<i32>} : memref<5000x128xf32, #tpu.memory_space<vmem>>, vector<5000x128xf32>,
    return
  }
  func.func @transform_0(%arg0: i32) -> (i32, i32) {
    %c0_i32 = arith.constant 0 : i32
    %c0_i32_0 = arith.constant 0 : i32
    return %arg0, %c0_i32 : i32, i32
  }
  func.func @transform_1(%arg0: i32) -> (i32, i32) {
    %c0_i32 = arith.constant 0 : i32
    %c0_i32_0 = arith.constant 0 : i32
    return %arg0, %c0_i32 : i32, i32
  }
}

module attributes {stable_mosaic.version = 14 : i64} {
  func.func @body(%arg0: i32, %arg1: i32, %arg2: memref<1x16x4096xf32, #tpu.memory_space<vmem>>, %arg3: memref<1x3x4096xi32, #tpu.memory_space<vmem>>, %arg4: memref<4096x128xf32, #tpu.memory_space<vmem>>, %arg5: memref<8x8xf32, #tpu.memory_space<vmem>>, %arg6: memref<48x8xf32, #tpu.memory_space<vmem>>, %arg7: memref<64x128xf32, #tpu.memory_space<vmem>>, %arg8: memref<128x128xf32, #tpu.memory_space<vmem>>, %arg9: memref<1x128xf32, #tpu.memory_space<vmem>>, %arg10: memref<1x4096x128xf32, #tpu.memory_space<vmem>>) attributes {dimension_semantics = [#tpu.dimension_semantics<arbitrary>, #tpu.dimension_semantics<arbitrary>], iteration_bounds = array<i64: 20, 4>, scalar_prefetch = 0 : i64, scratch_operands = 0 : i64, tpu.core_type = #tpu.core_type<tc>, window_params = [{transform_indices = @transform_0, window_bounds = array<i64: 1, 16, 4096>}, {transform_indices = @transform_1, window_bounds = array<i64: 1, 3, 4096>}, {transform_indices = @transform_2, window_bounds = array<i64: 4096, 128>}, {pipeline_mode = #tpu.pipeline_mode<synchronous>, transform_indices = @transform_3, window_bounds = array<i64: 8, 8>}, {pipeline_mode = #tpu.pipeline_mode<synchronous>, transform_indices = @transform_4, window_bounds = array<i64: 48, 8>}, {pipeline_mode = #tpu.pipeline_mode<synchronous>, transform_indices = @transform_5, window_bounds = array<i64: 64, 128>}, {pipeline_mode = #tpu.pipeline_mode<synchronous>, transform_indices = @transform_6, window_bounds = array<i64: 128, 128>}, {pipeline_mode = #tpu.pipeline_mode<synchronous>, transform_indices = @transform_7, window_bounds = array<i64: 1, 128>}, {transform_indices = @transform_8, window_bounds = array<i64: 1, 4096, 128>}]} {
    %get3A = arith.constant 0 : index
    %get3A_0 = arith.constant 0 : index
    %get3A_1 = arith.constant 0 : index
    %get3A_2 = vector.load %arg2[%get3A, %get3A_0, %get3A_1] : memref<1x16x4096xf32, #tpu.memory_space<vmem>>, vector<1x16x4096xf32>
    %squeeze3A = vector.shape_cast %get3A_2 : vector<1x16x4096xf32> to vector<16x4096xf32>
    %get3A_3 = arith.constant 0 : index
    %get3A_4 = arith.constant 0 : index
    %get3A_5 = arith.constant 0 : index
    %get3A_6 = vector.load %arg3[%get3A_3, %get3A_4, %get3A_5] : memref<1x3x4096xi32, #tpu.memory_space<vmem>>, vector<1x3x4096xi32>
    %squeeze3A_7 = vector.shape_cast %get3A_6 : vector<1x3x4096xi32> to vector<3x4096xi32>
    %get3A_8 = arith.constant 0 : index
    %get3A_9 = arith.constant 0 : index
    %get3A_10 = vector.load %arg4[%get3A_8, %get3A_9] : memref<4096x128xf32, #tpu.memory_space<vmem>>, vector<4096x128xf32>
    %get3A_11 = arith.constant 0 : index
    %get3A_12 = arith.constant 0 : index
    %get3A_13 = vector.load %arg7[%get3A_11, %get3A_12] : memref<64x128xf32, #tpu.memory_space<vmem>>, vector<64x128xf32>
    %slice3A = vector.extract_strided_slice %squeeze3A_7 {offsets = [0, 0], sizes = [1, 4096], strides = [1, 1]} : vector<3x4096xi32> to vector<1x4096xi32>
    %slice3A_14 = vector.extract_strided_slice %squeeze3A_7 {offsets = [1, 0], sizes = [1, 4096], strides = [1, 1]} : vector<3x4096xi32> to vector<1x4096xi32>
    %slice3A_15 = vector.extract_strided_slice %squeeze3A_7 {offsets = [2, 0], sizes = [1, 4096], strides = [1, 1]} : vector<3x4096xi32> to vector<1x4096xi32>
    %rem3A = arith.constant 20000 : i32
    %rem3A_16 = vector.broadcast %rem3A : i32 to vector<1x4096xi32>
    %rem3A_17 = arith.remsi %slice3A_15, %rem3A_16 : vector<1x4096xi32>
    %div3A = arith.constant 5000 : i32
    %div3A_18 = vector.broadcast %div3A : i32 to vector<1x4096xi32>
    %div3A_19 = arith.divsi %rem3A_17, %div3A_18 : vector<1x4096xi32>
    %iota3A = tpu.iota {dimensions = array<i32: 0>} : vector<8x4096xi32>
    %eq3A = vector.broadcast %slice3A : vector<1x4096xi32> to vector<8x4096xi32>
    %eq3A_20 = arith.cmpi eq, %iota3A, %eq3A : vector<8x4096xi32>
    %convert_element_type3A = arith.extui %eq3A_20 : vector<8x4096xi1> to vector<8x4096xi32>
    %convert_element_type3A_21 = arith.sitofp %convert_element_type3A : vector<8x4096xi32> to vector<8x4096xf32>
    %iota3A_22 = tpu.iota {dimensions = array<i32: 0>} : vector<48x4096xi32>
    %eq3A_23 = vector.broadcast %slice3A_14 : vector<1x4096xi32> to vector<48x4096xi32>
    %eq3A_24 = arith.cmpi eq, %iota3A_22, %eq3A_23 : vector<48x4096xi32>
    %convert_element_type3A_25 = arith.extui %eq3A_24 : vector<48x4096xi1> to vector<48x4096xi32>
    %convert_element_type3A_26 = arith.sitofp %convert_element_type3A_25 : vector<48x4096xi32> to vector<48x4096xf32>
    %iota3A_27 = tpu.iota {dimensions = array<i32: 0>} : vector<4x4096xi32>
    %eq3A_28 = vector.broadcast %div3A_19 : vector<1x4096xi32> to vector<4x4096xi32>
    %eq3A_29 = arith.cmpi eq, %iota3A_27, %eq3A_28 : vector<4x4096xi32>
    %convert_element_type3A_30 = arith.extui %eq3A_29 : vector<4x4096xi1> to vector<4x4096xi32>
    %convert_element_type3A_31 = arith.sitofp %convert_element_type3A_30 : vector<4x4096xi32> to vector<4x4096xf32>
    %iota3A_32 = tpu.iota {dimensions = array<i32: 0>} : vector<4x128xi32>
    %iota3A_33 = tpu.iota {dimensions = array<i32: 1>} : vector<4x128xi32>
    %jit3A = arith.constant 32 : i32
    %div3A_34 = vector.broadcast %jit3A : i32 to vector<4x128xi32>
    %div3A_35 = arith.divsi %iota3A_33, %div3A_34 : vector<4x128xi32>
    %sign3A = arith.constant 0 : i32
    %sign3A_36 = vector.broadcast %sign3A : i32 to vector<4x128xi32>
    %sign3A_37 = arith.cmpi sgt, %iota3A_33, %sign3A_36 : vector<4x128xi32>
    %sign3A_38 = arith.extui %sign3A_37 : vector<4x128xi1> to vector<4x128xi32>
    %sign3A_39 = arith.constant 0 : i32
    %sign3A_40 = vector.broadcast %sign3A_39 : i32 to vector<4x128xi32>
    %sign3A_41 = arith.cmpi slt, %iota3A_33, %sign3A_40 : vector<4x128xi32>
    %sign3A_42 = arith.extui %sign3A_41 : vector<4x128xi1> to vector<4x128xi32>
    %sign3A_43 = arith.subi %sign3A_38, %sign3A_42 : vector<4x128xi32>
    %sign3A_44 = arith.constant 0 : i32
    %sign3A_45 = arith.cmpi sgt, %jit3A, %sign3A_44 : i32
    %sign3A_46 = arith.extui %sign3A_45 : i1 to i32
    %sign3A_47 = arith.constant 0 : i32
    %sign3A_48 = arith.cmpi slt, %jit3A, %sign3A_47 : i32
    %sign3A_49 = arith.extui %sign3A_48 : i1 to i32
    %sign3A_50 = arith.subi %sign3A_46, %sign3A_49 : i32
    %ne3A = vector.broadcast %sign3A_50 : i32 to vector<4x128xi32>
    %ne3A_51 = arith.cmpi ne, %sign3A_43, %ne3A : vector<4x128xi32>
    %rem3A_52 = vector.broadcast %jit3A : i32 to vector<4x128xi32>
    %rem3A_53 = arith.remsi %iota3A_33, %rem3A_52 : vector<4x128xi32>
    %ne3A_54 = arith.constant 0 : i32
    %ne3A_55 = vector.broadcast %ne3A_54 : i32 to vector<4x128xi32>
    %ne3A_56 = arith.cmpi ne, %rem3A_53, %ne3A_55 : vector<4x128xi32>
    %and3A = arith.andi %ne3A_51, %ne3A_56 : vector<4x128xi1>
    %sub3A = arith.constant 1 : i32
    %sub3A_57 = vector.broadcast %sub3A : i32 to vector<4x128xi32>
    %sub3A_58 = arith.subi %div3A_35, %sub3A_57 : vector<4x128xi32>
    %select_n3A = arith.select %and3A, %sub3A_58, %div3A_35 : vector<4x128xi1>, vector<4x128xi32>
    %eq3A_59 = arith.cmpi eq, %iota3A_32, %select_n3A : vector<4x128xi32>
    %convert_element_type3A_60 = arith.extui %eq3A_59 : vector<4x128xi1> to vector<4x128xi32>
    %convert_element_type3A_61 = arith.sitofp %convert_element_type3A_60 : vector<4x128xi32> to vector<4x128xf32>
    %dot_general3A = arith.constant dense<0.000000e+00> : vector<4096x128xf32>
    %dot_general3A_62 = tpu.matmul %convert_element_type3A_31, %convert_element_type3A_61, %dot_general3A {dimension_numbers = #tpu.dot_dimension_numbers<[0], [0], [1], [1], [0, 1, 1, 1], [], []>, transpose_lhs_hint = false} : vector<4x4096xf32>, vector<4x128xf32>, vector<4096x128xf32> -> vector<4096x128xf32>
    %get3A_63 = arith.constant 0 : index
    %get3A_64 = arith.constant 0 : index
    %get3A_65 = vector.load %arg5[%get3A_63, %get3A_64] : memref<8x8xf32, #tpu.memory_space<vmem>>, vector<8x8xf32>
    %slice3A_66 = vector.extract_strided_slice %get3A_13 {offsets = [16, 0], sizes = [8, 128], strides = [1, 1]} : vector<64x128xf32> to vector<8x128xf32>
    %dot_general3A_67 = arith.constant dense<0.000000e+00> : vector<8x128xf32>
    %dot_general3A_68 = tpu.matmul %get3A_65, %slice3A_66, %dot_general3A_67 {dimension_numbers = #tpu.dot_dimension_numbers<[1], [0], [0], [1], [0, 0, 1, 1], [], []>, transpose_lhs_hint = false} : vector<8x8xf32>, vector<8x128xf32>, vector<8x128xf32> -> vector<8x128xf32>
    %get3A_69 = arith.constant 0 : index
    %get3A_70 = arith.constant 0 : index
    %get3A_71 = vector.load %arg6[%get3A_69, %get3A_70] : memref<48x8xf32, #tpu.memory_space<vmem>>, vector<48x8xf32>
    %slice3A_72 = vector.extract_strided_slice %get3A_13 {offsets = [24, 0], sizes = [8, 128], strides = [1, 1]} : vector<64x128xf32> to vector<8x128xf32>
    %dot_general3A_73 = arith.constant dense<0.000000e+00> : vector<48x128xf32>
    %dot_general3A_74 = tpu.matmul %get3A_71, %slice3A_72, %dot_general3A_73 {dimension_numbers = #tpu.dot_dimension_numbers<[1], [0], [0], [1], [0, 0, 1, 1], [], []>, transpose_lhs_hint = false} : vector<48x8xf32>, vector<8x128xf32>, vector<48x128xf32> -> vector<48x128xf32>
    %slice3A_75 = vector.extract_strided_slice %get3A_13 {offsets = [0, 0], sizes = [16, 128], strides = [1, 1]} : vector<64x128xf32> to vector<16x128xf32>
    %dot_general3A_76 = arith.constant dense<0.000000e+00> : vector<4096x128xf32>
    %dot_general3A_77 = tpu.matmul %squeeze3A, %slice3A_75, %dot_general3A_76 {dimension_numbers = #tpu.dot_dimension_numbers<[0], [0], [1], [1], [0, 1, 1, 1], [], []>, transpose_lhs_hint = false} : vector<16x4096xf32>, vector<16x128xf32>, vector<4096x128xf32> -> vector<4096x128xf32>
    %dot_general3A_78 = arith.constant dense<0.000000e+00> : vector<4096x128xf32>
    %dot_general3A_79 = tpu.matmul %convert_element_type3A_21, %dot_general3A_68, %dot_general3A_78 {dimension_numbers = #tpu.dot_dimension_numbers<[0], [0], [1], [1], [0, 1, 1, 1], [], []>, transpose_lhs_hint = false} : vector<8x4096xf32>, vector<8x128xf32>, vector<4096x128xf32> -> vector<4096x128xf32>
    %add3A = arith.addf %dot_general3A_77, %dot_general3A_79 : vector<4096x128xf32>
    %dot_general3A_80 = arith.constant dense<0.000000e+00> : vector<4096x128xf32>
    %dot_general3A_81 = tpu.matmul %convert_element_type3A_26, %dot_general3A_74, %dot_general3A_80 {dimension_numbers = #tpu.dot_dimension_numbers<[0], [0], [1], [1], [0, 1, 1, 1], [], []>, transpose_lhs_hint = false} : vector<48x4096xf32>, vector<48x128xf32>, vector<4096x128xf32> -> vector<4096x128xf32>
    %add3A_82 = arith.addf %add3A, %dot_general3A_81 : vector<4096x128xf32>
    %mul3A = arith.mulf %get3A_10, %dot_general3A_62 : vector<4096x128xf32>
    %get3A_83 = arith.constant 0 : index
    %get3A_84 = arith.constant 0 : index
    %get3A_85 = vector.load %arg8[%get3A_83, %get3A_84] : memref<128x128xf32, #tpu.memory_space<vmem>>, vector<128x128xf32>
    %dot_general3A_86 = arith.constant dense<0.000000e+00> : vector<4096x128xf32>
    %dot_general3A_87 = tpu.matmul %mul3A, %get3A_85, %dot_general3A_86 {dimension_numbers = #tpu.dot_dimension_numbers<[1], [0], [0], [1], [0, 0, 1, 1], [], []>, transpose_lhs_hint = false} : vector<4096x128xf32>, vector<128x128xf32>, vector<4096x128xf32> -> vector<4096x128xf32>
    %add3A_88 = arith.addf %add3A_82, %dot_general3A_87 : vector<4096x128xf32>
    %get3A_89 = arith.constant 0 : index
    %get3A_90 = arith.constant 0 : index
    %get3A_91 = vector.load %arg9[%get3A_89, %get3A_90] : memref<1x128xf32, #tpu.memory_space<vmem>>, vector<1x128xf32>
    %add3A_92 = vector.broadcast %get3A_91 : vector<1x128xf32> to vector<4096x128xf32>
    %add3A_93 = arith.addf %add3A_88, %add3A_92 : vector<4096x128xf32>
    %max3A = arith.constant 0.000000e+00 : f32
    %max3A_94 = vector.broadcast %max3A : f32 to vector<4096x128xf32>
    %max3A_95 = arith.maximumf %add3A_93, %max3A_94 : vector<4096x128xf32>
    %broadcast_in_dim3A = vector.shape_cast %max3A_95 : vector<4096x128xf32> to vector<1x4096x128xf32>
    %swap3A = arith.constant 0 : index
    %swap3A_96 = arith.constant 0 : index
    %swap3A_97 = arith.constant 0 : index
    %swap3A_98 = vector.load %arg10[%swap3A, %swap3A_96, %swap3A_97] : memref<1x4096x128xf32, #tpu.memory_space<vmem>>, vector<1x4096x128xf32>
    tpu.vector_store %arg10[%swap3A, %swap3A_96, %swap3A_97], %broadcast_in_dim3A {strides = array<i32>} : memref<1x4096x128xf32, #tpu.memory_space<vmem>>, vector<1x4096x128xf32>,
    return
  }
  func.func @transform_0(%arg0: i32, %arg1: i32) -> (i32, i32, i32) {
    %c0_i32 = arith.constant 0 : i32
    %c0_i32_0 = arith.constant 0 : i32
    return %arg0, %c0_i32, %arg1 : i32, i32, i32
  }
  func.func @transform_1(%arg0: i32, %arg1: i32) -> (i32, i32, i32) {
    %c0_i32 = arith.constant 0 : i32
    %c0_i32_0 = arith.constant 0 : i32
    return %arg0, %c0_i32, %arg1 : i32, i32, i32
  }
  func.func @transform_2(%arg0: i32, %arg1: i32) -> (i32, i32) {
    %mul3A = arith.constant 4 : i32
    %mul3A_0 = arith.muli %arg0, %mul3A : i32
    %add3A = arith.addi %mul3A_0, %arg1 : i32
    %c0_i32 = arith.constant 0 : i32
    %c0_i32_1 = arith.constant 0 : i32
    return %add3A, %c0_i32 : i32, i32
  }
  func.func @transform_3(%arg0: i32, %arg1: i32) -> (i32, i32) {
    %c0_i32 = arith.constant 0 : i32
    %c0_i32_0 = arith.constant 0 : i32
    %c0_i32_1 = arith.constant 0 : i32
    return %c0_i32, %c0_i32_0 : i32, i32
  }
  func.func @transform_4(%arg0: i32, %arg1: i32) -> (i32, i32) {
    %c0_i32 = arith.constant 0 : i32
    %c0_i32_0 = arith.constant 0 : i32
    %c0_i32_1 = arith.constant 0 : i32
    return %c0_i32, %c0_i32_0 : i32, i32
  }
  func.func @transform_5(%arg0: i32, %arg1: i32) -> (i32, i32) {
    %c0_i32 = arith.constant 0 : i32
    %c0_i32_0 = arith.constant 0 : i32
    %c0_i32_1 = arith.constant 0 : i32
    return %c0_i32, %c0_i32_0 : i32, i32
  }
  func.func @transform_6(%arg0: i32, %arg1: i32) -> (i32, i32) {
    %c0_i32 = arith.constant 0 : i32
    %c0_i32_0 = arith.constant 0 : i32
    %c0_i32_1 = arith.constant 0 : i32
    return %c0_i32, %c0_i32_0 : i32, i32
  }
  func.func @transform_7(%arg0: i32, %arg1: i32) -> (i32, i32) {
    %c0_i32 = arith.constant 0 : i32
    %c0_i32_0 = arith.constant 0 : i32
    %c0_i32_1 = arith.constant 0 : i32
    return %c0_i32, %c0_i32_0 : i32, i32
  }
  func.func @transform_8(%arg0: i32, %arg1: i32) -> (i32, i32, i32) {
    %c0_i32 = arith.constant 0 : i32
    %c0_i32_0 = arith.constant 0 : i32
    return %arg0, %arg1, %c0_i32 : i32, i32, i32
  }
}

</mosaic_0001>

<sc_bundles>
// kernel: kernel.5.cloned.1.call-start
scs
__scs_entry_jumppad:
0x0: {  	(pc) =	sbr.rel $0x88, $3  }
0x1: {  	(tag) =	ssettag $0x0;
	lr =	simm.s32 $0x1  }
0x2: {  	[smem:$0x3F9A] =	sst lr;
	_ =	strace $0xD0000000  }
0x3: {  	_ = 	snop  }
0x4: {  	_ = 	snop  }
0x5: {  	_ = 	snop  }
0x6: {  	_ = 	snop  }
0x7: {  	_ = 	snop  }
__scs_overlays_trampoline_lowered:
0x8: {  	[smem:$0x3FA9] =	sst s0  }
0x9: {  	[smem:$0x3FAA] =	sst s1  }
0xa: {  	[smem:$0x3FAB] =	sst s2  }
0xb: {  	[smem:$0x3FAC] =	sst s3  }
0xc: {  	[smem:$0x3FAD] =	sst s4  }
0xd: {  	[smem:$0x3FAE] =	sst s5  }
0xe: {  	[smem:$0x3FAF] =	sst s6  }
0xf: {  	[smem:$0x3FB0] =	sst s7  }
0x10: {  	[smem:$0x3FB1] =	sst s8  }
0x11: {  	[smem:$0x3FB2] =	sst s9;
	s0 =	simm.s32 @!p0 $0x0  }
0x12: {  	s1 =	sld [smem:$0x3F98];
	s0 =	simm.s32 @p0 $0x1  }
0x13: {  	[smem:$0x3FB3] =	sst s0;
	s0 =	simm.s32 @!p1 $0x0  }
0x14: {  	s2 =	sld [smem:$0x3F97];
	s0 =	simm.s32 @p1 $0x1  }
0x15: {  	[smem:$0x3FB4] =	sst s0;
	s0 =	simm.s32 @!p2 $0x0  }
0x16: {  	s3 =	sld [smem:$0x3FDB];
	s0 =	simm.s32 @p2 $0x1  }
0x17: {  	s4 =	simm.s32 $0x1BF5;
	[smem:$0x3FB6] =	sst s0  }
0x18: {  	s0 =	sld [smem:$0x3F99];
	_ =	swait.ge [sflag:s4], $0x0  }
0x19: {  	s7 =	sld [smem:$0x3F9A]  }
0x1a: {  	s8 =	sadd.s32 $0xFFFFE003, lr  }
0x1b: {  	s9 =	sadd.s32 $0xFFFFFEF7, lr;
	s5 =	simm.s32 $0xFFFFFFFF;
	p2 =	slt.u32 s8, $0xFFFFF086  }
0x1c: {  	p1 =	slt.u32 s9, $0xF7A;
	s5 =	simm.s32 @!p2 $0x0  }
0x1d: {  	s5 =	simm.s32 @p1 $0x1;
	p0 =	seq.s32 s7, s2  }
0x1e: {  	s7 =	smul.u32 @!p0 $0xF7A, s2;
	p2 =	seq.s32 @!p0 s5, $0x0  }
0x1f: {  	s9 =	smul.u32 $0xF7A, s1;
	s8 =	simm.s32 @!p0 $0x1BF5;
	p2 =	por !p2, p0  }
0x20: {  	[sflag:s8] =	ssyncset.s32 @!p0 $0xFFFFF086;
	s6 =	sadd.s32 @!p0 s3, s7;
	s7 =	simm.s32 @!p0 $0x108  }
0x21: {  	s3 =	sadd.s32 s3, s9;
	s6 =	sadd.s32 @!p0 $0x88, s6;
	s7 =	simm.s32 @p2 $0x1082  }
0x22: {  	[simem:s7], [sflag:s8] =	dma.local @!p0 [hbm:s6], $0xF7A  }
0x23: {  	s9 =	sor.u32 $0xD0000000, s2;
	s6 =	simm.s32 $0x108;
	_ =	swait.ge @!p0 [sflag:s8], $0x0  }
0x24: {  	s3 =	sadd.s32 $0x88, s3;
	s6 =	simm.s32 @!p1 $0x1082;
	[sflag:s4] =	ssyncset.s32 $0xFFFFF086  }
0x25: {  	[simem:s6], [sflag:s4] =	dma.local [hbm:s3], $0xF7A  }
0x26: {  	[smem:$0x3F9A] =	sst s1;
	(tag) =	ssettag s2;
	_ =	strace s9  }
0x27: {  	s1 =	sld [smem:$0x3FAA]  }
0x28: {  	s2 =	sld [smem:$0x3FAB]  }
0x29: {  	s4 =	sld [smem:$0x3FAD]  }
0x2a: {  	p0 =	seq.s32 s5, $0x0;
	s5 =	sld [smem:$0x3FAE]  }
0x2b: {  	s6 =	sld [smem:$0x3FAF]  }
0x2c: {  	s7 =	sld [smem:$0x3FB0]  }
0x2d: {  	s3 =	simm.s32 $0x108;
	s8 =	sld [smem:$0x3FB1]  }
0x2e: {  	s3 =	simm.s32 @!p0 $0x1082;
	s9 =	sld [smem:$0x3FB2]  }
0x2f: {  	lr =	sadd.s32 s0, s3;
	s0 =	sld [smem:$0x3FA9]  }
0x30: {  	s3 =	sld [smem:$0x3FAC]  }
0x31: {  	[smem:$0x3FB5] =	sst s10  }
0x32: {  	s10 =	sld [smem:$0x3FB3];
	_ =	sdelay $0x3  }
0x33: {  	p0 =	seq.s32 s10, $0x1;
	s10 =	sld [smem:$0x3FB5];
	_ =	sdelay $0x3  }
0x34: {  	[smem:$0x3FB5] =	sst s10  }
0x35: {  	s10 =	sld [smem:$0x3FB4];
	_ =	sdelay $0x3  }
0x36: {  	p1 =	seq.s32 s10, $0x1;
	s10 =	sld [smem:$0x3FB5];
	_ =	sdelay $0x3  }
0x37: {  	[smem:$0x3FB5] =	sst s10  }
0x38: {  	s10 =	sld [smem:$0x3FB6]  }
0x39: {  	_ = 	snop;
	(pc) =	sbr.ind lr, $3  }
0x3a: {  	_ = 	snop  }
0x3b: {  	_ = 	snop  }
0x3c: {  	p2 =	seq.s32 s10, $0x1;
	s10 =	sld [smem:$0x3FB5]  }
0x3d: {  	_ =	shalt  }
0x3e: {  	_ =	shalt  }
0x3f: {  	_ =	shalt  }
0x40: {  	_ =	shalt  }
0x41: {  	_ =	shalt  }
0x42: {  	_ =	shalt  }
0x43: {  	_ =	shalt  }
0x44: {  	_ =	shalt  }
0x45: {  	_ =	shalt  }
0x46: {  	_ =	shalt  }
0x47: {  	_ =	shalt  }
0x48: {  	_ =	shalt  }
0x49: {  	_ =	shalt  }
0x4a: {  	_ =	shalt  }
0x4b: {  	_ =	shalt  }
0x4c: {  	_ =	shalt  }
0x4d: {  	_ =	shalt  }
0x4e: {  	_ =	shalt  }
0x4f: {  	_ =	shalt  }
0x50: {  	_ =	shalt  }
0x51: {  	_ =	shalt  }
0x52: {  	_ =	shalt  }
0x53: {  	_ =	shalt  }
0x54: {  	_ =	shalt  }
0x55: {  	_ =	shalt  }
0x56: {  	_ =	shalt  }
0x57: {  	_ =	shalt  }
0x58: {  	_ =	shalt  }
0x59: {  	_ =	shalt  }
0x5a: {  	_ =	shalt  }
0x5b: {  	_ =	shalt  }
0x5c: {  	_ =	shalt  }
0x5d: {  	_ =	shalt  }
0x5e: {  	_ =	shalt  }
0x5f: {  	_ =	shalt  }
0x60: {  	_ =	shalt  }
0x61: {  	_ =	shalt  }
0x62: {  	_ =	shalt  }
0x63: {  	_ =	shalt  }
0x64: {  	_ =	shalt  }
0x65: {  	_ =	shalt  }
0x66: {  	_ =	shalt  }
0x67: {  	_ =	shalt  }
0x68: {  	_ =	shalt  }
0x69: {  	_ =	shalt  }
0x6a: {  	_ =	shalt  }
0x6b: {  	_ =	shalt  }
0x6c: {  	_ =	shalt  }
0x6d: {  	_ =	shalt  }
0x6e: {  	_ =	shalt  }
0x6f: {  	_ =	shalt  }
0x70: {  	_ =	shalt  }
0x71: {  	_ =	shalt  }
0x72: {  	_ =	shalt  }
0x73: {  	_ =	shalt  }
0x74: {  	_ =	shalt  }
0x75: {  	_ =	shalt  }
0x76: {  	_ =	shalt  }
0x77: {  	_ =	shalt  }
0x78: {  	_ =	shalt  }
0x79: {  	_ =	shalt  }
0x7a: {  	_ =	shalt  }
0x7b: {  	_ =	shalt  }
0x7c: {  	_ =	shalt  }
0x7d: {  	_ =	shalt  }
0x7e: {  	_ =	shalt  }
0x7f: {  	_ =	shalt  }
0x80: {  	_ =	shalt  }
0x81: {  	_ =	shalt  }
0x82: {  	_ =	shalt  }
0x83: {  	_ =	shalt  }
0x84: {  	_ =	shalt  }
0x85: {  	_ =	shalt  }
0x86: {  	_ =	shalt  }
0x87: {  	_ =	shalt  }
.Lfunc_end0:
.L_simem_size_0:
called_computation_lowered:
.L_overlay_start_0:
0x88: {  	s2 =	sld [smem:$0x3FD9]  }
0x89: {  	s3 =	sld [smem:$0x3FFE];
	_ =	sdelay $0x1  }
0x8a: {  	s1 =	srdreg.scid  }
0x8b: {  	s0 =	sand.u32 $0x1, s1  }
0x8c: {  	s17 =	sshll.u32 s0, $0xA;
	s2 =	sadd.s32 s3, s2  }
0x8d: {  	s2 =	sadd.s32 s2, s17  }
0x8e: {  	[smem:$0x3FC1] =	sst s2  }
0x8f: {  	_ = 	snop  }
0x90: {  	s2 =	sld [smem:$0x3FD0];
	(tm) =	ssettm $0x1  }
0x91: {  	s18 =	sld [smem:$0x3FFB];
	_ =	sdelay $0x3  }
0x92: {  	_ =	strace s18  }
0x93: {  	s3 =	sld [smem:$0x3FFC];
	_ =	sdelay $0x3  }
0x94: {  	_ =	strace s3  }
0x95: {  	s3 =	sld [smem:$0x3FFD];
	_ =	sdelay $0x3  }
0x96: {  	_ =	strace s3  }
0x97: {  	_ =	strace $0x8FFFFFFF  }
0x98: {  	s19 =	sld [smem:$0x3FDB];
	_ =	sdelay $0x1  }
0x99: {  	s4 =	simm.s32 $_scs_section_size  }
0x9a: {  	s5 =	simm.s32 $_size__tile_overlayer_lowered;
	s6 =	simm.s32 $_tile_overlayer_lowered  }
0x9b: {  	s22 =	simm.s32 $0x1BFF;
	s21 =	sshll.u32 s6, $0x1;
	s3 =	sadd.s32 s4, s19  }
0x9c: {  	s7 =	simm.s32 $0x0;
	s20 =	sshll.u32 s5, $0x1;
	s5 =	sadd.s32 s21, s3  }
0x9d: {  	[timem:s7], [sflag:s22] =	dma.local [hbm:s5], s20  }
0x9e: {  	_ =	swait.ge [sflag:s22], s20  }
0x9f: {  	s4 =	ssub.s32 $0x0, s20;
	[sflag:s22] =	ssyncset.done $0x0  }
0xa0: {  	[sflag:s22] =	ssyncadd.s32 s4;
	_ =	sdelay $0x1  }
0xa1: {  	s23 =	simm.s32 $0x1B8B  }
0xa2: {  	_ =	swait.ge [sflag:s23], $0x1  }
0xa3: {  	[sflag:s23] =	ssyncset.done $0x0  }
0xa4: {  	s25 =	simm.s32 $0x1B8E;
	s24 =	sld [smem:$0x3FFE];
	[sflag:s23] =	ssyncadd.s32 $0xFFFFFFFF  }
0xa5: {  	s26 =	simm.s32 $execute0_lowered;
	[smem:$0x3FD2] =	sst s25  }
0xa6: {  	s5 =	sshll.u32 s26, $0x1;
	_ =	strace $0x80000046;
	[dreg:$0x1] =	wrdreg $0xFFFFFFFF  }
0xa7: {  	s28 =	simm.s32 $_size_execute0_lowered;
	s3 =	sadd.s32 s3, s5;
	[dreg:$0x0] =	wrdreg $0x0  }
0xa8: {  	s5 =	sshll.u32 s28, $0x1;
	[dreg:$0x2] =	wrdreg s3  }
0xa9: {  	[dreg:$0x3] =	wrdreg s5  }
0xaa: {  	[dreg:$0x4] =	wrdreg $0xC0  }
0xab: {  	_ =	task [dreg:s7], $0x5FFFF  }
0xac: {  	[dreg:$0x1] =	wrdreg $0xFFFFFFFF  }
0xad: {  	[dreg:$0x0] =	wrdreg $0x60  }
0xae: {  	[dreg:$0x2] =	wrdreg s2  }
0xaf: {  	[dreg:$0x3] =	wrdreg s24  }
0xb0: {  	[dreg:$0x4] =	wrdreg $0x9  }
0xb1: {  	_ =	task.clear_ibuf [dreg:s7], $0x5FFFF;
	_ =	strace $0x90000046  }
0xb2: {  	s29 =	simm.s32 $0x9;
	_ =	strace $0x80000048  }
0xb3: {  	_ =	swait.ge [sflag:s29], $0x1  }
0xb4: {  	[sflag:s29] =	ssyncadd.s32 $0xFFFFFFFF  }
0xb5: {  	_ =	strace $0x90000048  }
0xb6: {  	_ =	sfence  }
0xb7: {  	s30 =	sld [smem:$0x0];
	_ =	sdelay $0x2  }
0xb8: {  	s31 =	sshll.u32 s1, $0xD;
	s1 =	sshrl.u32 s1, $0x2  }
0xb9: {  	s3 =	sand.u32 $0x4000, s31;
	s1 =	sadd.s32 s1, s30  }
0xba: {  	s0 =	sor.u32 s3, s0;
	s1 =	sshll.u32 s1, $0x11  }
0xbb: {  	s0 =	sor.u32 s1, s0  }
0xbc: {  	s0 =	sadd.s32 $0x8F2B, s0  }
0xbd: {  	[sflag:s0] =	ssyncadd.remote.s32 $0x1  }
0xbe: {  	_ =	sfence.sel $0xFFFF  }
0xbf: {  	[dreg:$0x0] =	wrdreg $0xFFFFFFFF;
	(pc) =	sbr.abs _section_cstart, $3  }
0xc0: {  	[dreg:$0x1] =	wrdreg $0xFFFFFFFF  }
0xc1: {  	_ =	task.clear_ibuf [dreg:s7], $0x2FFFF;
	_ =	strace $0x9FFFFFFF  }
0xc2: {  	(tm) =	ssettm $0x7FFFFFFF  }
0xc3: {  	_ =	shalt  }
tec
execute0_lowered:
.L_overlay_start_1:
0x0: {  	(tag) =	ssettag $0x1  }
0x1: {  	s2 =	rddreg [dreg:$0x0]  }
0x2: {  	s4 =	rddreg [dreg:$0x1]  }
0x3: {  	s0 =	rddreg [dreg:$0x2];
	s5 =	srdreg.scid  }
0x4: {  	s1 =	stileid.u32;
	s3 =	simm.s32 $0x0;
	s10 =	simm.s32 $0x4200  }
0x5: {  	s11 =	simm.s32 $0x100;
	s12 =	simm.s32 $0x8200;
	s13 =	simm.s32 $0x180  }
0x6: {  	s14 =	simm.s32 $0xC200;
	s15 =	simm.s32 $0x1;
	s6 =	smul.u32 $0x5000, s1  }
0x7: {  	s16 =	simm.s32 $0x0;
	s5 =	sand.u32 $0x1, s5;
	s8 =	smul.u32 $0x50000, s1  }
0x8: {  	[smem:$0x7FF] =	sst s3;
	s7 =	smul.u32 $0x2800, s5;
	s9 =	ssub.s32 $0x2, s5  }
0x9: {  	_ =	strace $0x80000047;
	s5 =	smul.u32 $0x28000, s5;
	s31 =	sshrl.u32 s9, $0x1  }
0xa: {  	s8 =	sadd.s32 s8, s4;
	s6 =	sadd.s32 s7, s6;
	s7 =	ssub.s32 s9, s31  }
0xb: {  	s5 =	sadd.s32 s5, s8;
	s8 =	simm.s32 $0x80;
	s6 =	sshrl.u32 s6, $0x3  }
0xc: {  	s9 =	simm.s32 $0x200;
	s5 =	sadd.s32 $0x4A400, s5;
	s6 =	sadd.s32 s6, s4  }
0xd: {  	s4 =	smax.u32 s7, $0x1;
	s7 =	simm.s32 $0x2;
	s6 =	sadd.s32 $0x40400, s6  }
.LBB2_1:
0xe: {  	s17 =	sadd.s32 $0x0, s6  }
0xf: {  	[tilespmem:s3], [sflag:$0x2] =	stream.linear.gather [hbm4b:s17+s3], $0x200, $0x38;
	[tilespmem:$0x10200] =	vst v63  }
0x10: {  	_ =	swait.ge [sflag:s7], $0x200  }
0x11: {  	[sflag:s7] =	ssyncset.done $0x0  }
0x12: {  	[sflag:s7] =	ssyncadd.s32 $0xFFFFFE00  }
0x13: {  	[tilespmem:s9], [sflag:$0x1] =	stream.indirect.gather [hbm4b:s2+s8], $0x80, s3, s8, $0xb8;
	[tilespmem:$0x10200] =	vst v63  }
0x14: {  	_ = 	snop  }
0x15: {  	[tilespmem:s10], [sflag:$0x1] =	stream.indirect.gather [hbm4b:s2+s8], $0x80, s8, s8, $0xb8;
	[tilespmem:$0x10200] =	vst v63  }
0x16: {  	_ = 	snop  }
0x17: {  	[tilespmem:s12], [sflag:$0x1] =	stream.indirect.gather [hbm4b:s2+s8], $0x80, s11, s8, $0xb8;
	[tilespmem:$0x10200] =	vst v63  }
0x18: {  	_ = 	snop  }
0x19: {  	[tilespmem:s14], [sflag:$0x1] =	stream.indirect.gather [hbm4b:s2+s8], $0x80, s13, s8, $0xb8;
	[tilespmem:$0x10200] =	vst v63  }
0x1a: {  	_ =	swait.ge [sflag:s15], $0x4000  }
0x1b: {  	[sflag:s15] =	ssyncset.done $0x0  }
0x1c: {  	[sflag:s15] =	ssyncadd.s32 $0xFFFFC000  }
0x1d: {  	_ =	swait.ge [sflag:s15], $0x4000  }
0x1e: {  	[sflag:s15] =	ssyncset.done $0x0  }
0x1f: {  	[sflag:s15] =	ssyncadd.s32 $0xFFFFC000  }
0x20: {  	_ =	swait.ge [sflag:s15], $0x4000  }
0x21: {  	[sflag:s15] =	ssyncset.done $0x0  }
0x22: {  	[sflag:s15] =	ssyncadd.s32 $0xFFFFC000  }
0x23: {  	_ =	swait.ge [sflag:s15], $0x4000  }
0x24: {  	[sflag:s15] =	ssyncset.done $0x0  }
0x25: {  	[sflag:s15] =	ssyncadd.s32 $0xFFFFC000  }
0x26: {  	[hbm4b:s5+s3] =	stream.linear.scatter [tilespmem:s9], [sflag:$0x2], $0x10000, $0x38;
	[tilespmem:$0x10200] =	vst v63  }
0x27: {  	s18 =	simm.s32 $0x40;
	_ =	swait.ge [sflag:s7], $0x10000  }
0x28: {  	s19 =	simm.s32 $0x80;
	s17 =	sadd.s32 $0x2000, s5;
	[sflag:s7] =	ssyncset.done $0x0  }
.LBB2_2:
0x29: {  	s20 =	sadd.s32 s18, s6  }
0x2a: {  	[sflag:s7] =	ssyncadd.s32 $0xFFFF0000;
	s18 =	smov.u32 s19;
	s21 =	sadd.s32 $0x40, s19  }
0x2b: {  	[tilespmem:s3], [sflag:$0x2] =	stream.linear.gather [hbm4b:s20+s3], $0x200, $0x38;
	[tilespmem:$0x10200] =	vst v63  }
0x2c: {  	p0 =	sne.s32 s19, $0x4C0;
	_ =	swait.ge [sflag:s7], $0x200  }
0x2d: {  	[sflag:s7] =	ssyncset.done $0x0  }
0x2e: {  	[sflag:s7] =	ssyncadd.s32 $0xFFFFFE00  }
0x2f: {  	[tilespmem:s9], [sflag:$0x1] =	stream.indirect.gather [hbm4b:s2+s8], $0x80, s3, s8, $0xb8;
	[tilespmem:$0x10200] =	vst v63  }
0x30: {  	_ = 	snop  }
0x31: {  	[tilespmem:s10], [sflag:$0x1] =	stream.indirect.gather [hbm4b:s2+s8], $0x80, s8, s8, $0xb8;
	[tilespmem:$0x10200] =	vst v63  }
0x32: {  	_ = 	snop  }
0x33: {  	[tilespmem:s12], [sflag:$0x1] =	stream.indirect.gather [hbm4b:s2+s8], $0x80, s11, s8, $0xb8;
	[tilespmem:$0x10200] =	vst v63  }
0x34: {  	_ = 	snop  }
0x35: {  	[tilespmem:s14], [sflag:$0x1] =	stream.indirect.gather [hbm4b:s2+s8], $0x80, s13, s8, $0xb8;
	[tilespmem:$0x10200] =	vst v63  }
0x36: {  	_ =	swait.ge [sflag:s15], $0x4000  }
0x37: {  	[sflag:s15] =	ssyncset.done $0x0  }
0x38: {  	[sflag:s15] =	ssyncadd.s32 $0xFFFFC000  }
0x39: {  	_ =	swait.ge [sflag:s15], $0x4000  }
0x3a: {  	[sflag:s15] =	ssyncset.done $0x0  }
0x3b: {  	[sflag:s15] =	ssyncadd.s32 $0xFFFFC000  }
0x3c: {  	_ =	swait.ge [sflag:s15], $0x4000  }
0x3d: {  	[sflag:s15] =	ssyncset.done $0x0  }
0x3e: {  	[sflag:s15] =	ssyncadd.s32 $0xFFFFC000  }
0x3f: {  	_ =	swait.ge [sflag:s15], $0x4000  }
.Ltmp0:
0x40: {  	[sflag:s15] =	ssyncset.done $0x0;
	(pc) =	sbr.rel @p0 .LBB2_2-.Ltmp0, $4  }
0x41: {  	[sflag:s15] =	ssyncadd.s32 $0xFFFFC000  }
0x42: {  	[hbm4b:s17+s3] =	stream.linear.scatter [tilespmem:s9], [sflag:$0x2], $0x10000, $0x38;
	[tilespmem:$0x10200] =	vst v63  }
0x43: {  	_ =	swait.ge [sflag:s7], $0x10000  }
0x44: {  	s19 =	smov.u32 s21;
	s17 =	sadd.s32 $0x2000, s17;
	[sflag:s7] =	ssyncset.done $0x0  }
0x45: {  	s18 =	sadd.s32 s18, s6;
	[sflag:s7] =	ssyncadd.s32 $0xFFFF0000  }
0x46: {  	[tilespmem:s3], [sflag:$0x2] =	stream.linear.gather [hbm4b:s18+s3], $0x200, $0x38;
	[tilespmem:$0x10200] =	vst v63  }
0x47: {  	_ =	swait.ge [sflag:s7], $0x200  }
0x48: {  	[sflag:s7] =	ssyncset.done $0x0  }
0x49: {  	[sflag:s7] =	ssyncadd.s32 $0xFFFFFE00  }
0x4a: {  	[tilespmem:s9], [sflag:$0x1] =	stream.indirect.gather [hbm4b:s2+s8], $0x80, s3, s8, $0xb8;
	[tilespmem:$0x10200] =	vst v63  }
0x4b: {  	_ = 	snop  }
0x4c: {  	[tilespmem:s10], [sflag:$0x1] =	stream.indirect.gather [hbm4b:s2+s8], $0x80, s8, s8, $0xb8;
	[tilespmem:$0x10200] =	vst v63  }
0x4d: {  	_ = 	snop  }
0x4e: {  	[tilespmem:s12], [sflag:$0x1] =	stream.indirect.gather [hbm4b:s2+s8], $0x80, s11, s8, $0xb8;
	[tilespmem:$0x10200] =	vst v63  }
0x4f: {  	_ = 	snop  }
0x50: {  	[tilespmem:s14], [sflag:$0x1] =	stream.indirect.gather [hbm4b:s2+s8], $0x80, s13, s8, $0xb8;
	[tilespmem:$0x10200] =	vst v63  }
0x51: {  	_ =	swait.ge [sflag:s15], $0x4000  }
0x52: {  	[sflag:s15] =	ssyncset.done $0x0  }
0x53: {  	[sflag:s15] =	ssyncadd.s32 $0xFFFFC000  }
0x54: {  	_ =	swait.ge [sflag:s15], $0x4000  }
0x55: {  	[sflag:s15] =	ssyncset.done $0x0  }
0x56: {  	[sflag:s15] =	ssyncadd.s32 $0xFFFFC000  }
0x57: {  	_ =	swait.ge [sflag:s15], $0x4000  }
0x58: {  	[sflag:s15] =	ssyncset.done $0x0  }
0x59: {  	[sflag:s15] =	ssyncadd.s32 $0xFFFFC000  }
0x5a: {  	s16 =	sadd.s32 $0x1, s16;
	_ =	swait.ge [sflag:s15], $0x4000  }
0x5b: {  	p0 =	sne.s32 s16, s4;
	[sflag:s15] =	ssyncset.done $0x0  }
.Ltmp1:
0x5c: {  	[sflag:s15] =	ssyncadd.s32 $0xFFFFC000;
	(pc) =	sbr.rel @p0 .LBB2_1-.Ltmp1, $4  }
0x5d: {  	[hbm4b:s17+s3] =	stream.linear.scatter [tilespmem:s9], [sflag:$0x2], $0x10000, $0x38;
	[tilespmem:$0x10200] =	vst v63  }
0x5e: {  	_ =	swait.ge [sflag:s7], $0x10000  }
0x5f: {  	[sflag:s7] =	ssyncset.done $0x0  }
0x60: {  	[sflag:s7] =	ssyncadd.s32 $0xFFFF0000  }
0x61: {  	_ =	sfence.sel $0x180000  }
0x62: {  	[bflag:$0x0] =	sbarrier.arrive $0xFFFF  }
0x63: {  	p0 =	sne.s32 s1, $0x0;
	_ =	strace $0x90000047  }
0x64: {  	s0 =	sadd.s32 @!p0 $0x100000, s0;
	[bflag:$0x2] =	sbarrier.arrive $0xFFFF  }
0x65: {  	[sflag:s0] =	ssyncadd.tile.s32 @!p0 $0x1;
	_ =	shalt  }
.Lfunc_end2:
_tile_overlayer_lowered:
.L_overlay_start_2:
0x66: {  	(tag) =	ssettag $0x2  }
0x67: {  	s0 =	rddreg [dreg:$0x0];
	s2 =	stileid.u32  }
0x68: {  	s1 =	rddreg [dreg:$0x1];
	p0 =	sne.s32 s2, $0x0  }
0x69: {  	s3 =	rddreg [dreg:$0x2];
	[bflag:$0x3] =	sbarrier.arrive $0xFFFF;
	s2 =	simm.s32 @!p0 $0x1C02  }
0x6a: {  	[timem:s3], [sflag:s2] =	dma.local @!p0 [hbm:s0], s1  }
0x6b: {  	s0 =	simm.s32 @!p0 $0x2  }
0x6c: {  	_ =	swait.ge @!p0 [sflag:s0], s1  }
0x6d: {  	s1 =	ssub.s32 @!p0 $0x0, s1;
	[sflag:s0] =	ssyncset.done @!p0 $0x0  }
0x6e: {  	[sflag:s0] =	ssyncadd.s32 @!p0 s1  }
0x6f: {  	[bflag:$0x3] =	sbarrier.arrive $0xFFFF  }
0x70: {  	_ =	shalt  }

</sc_bundles>
